<compile_context>
chip_gen: v7x
topology: tpu7x:2x2x1
jax: 0.10.2.dev20260603
libtpu: 0.0.44.dev20260713+nightly
codegen_flags: <defaults>
</compile_context>

<pallas_src>
import functools

import jax
import jax.numpy as jnp
from jax.experimental import pallas as pl
from jax.experimental.pallas import tpu as pltpu
from jax.experimental.pallas import tpu_sc as plsc

B, INPUT_DIMS, CODE_DIM, K, NUM_ACTIONS = 8192, 768, 64, 512, 768
BM = 2048


def _encode_kernel(x_ref, W1_ref, b1_ref, W2_ref, b2_ref, W3_ref, b3_ref,
                   cbT_ref, idx_ref):
    f32 = jnp.float32
    dot = functools.partial(jnp.dot, preferred_element_type=f32)

    h = jnp.maximum(dot(x_ref[:], W1_ref[:]) + b1_ref[:], 0.0)
    h = jnp.maximum(dot(h, W2_ref[:]) + b2_ref[:], 0.0)
    z_e = dot(h, W3_ref[:]) + b3_ref[:]

    cbT = cbT_ref[:]
    cnorm = jnp.sum(cbT * cbT, axis=0)[None, :]
    scores = jnp.dot(z_e, cbT, preferred_element_type=f32,
                     precision=jax.lax.Precision.HIGHEST)
    d2 = cnorm - 2.0 * scores

    dmin = jnp.min(d2, axis=1, keepdims=True)
    lane = jax.lax.broadcasted_iota(jnp.int32, d2.shape, 1)
    masked = jnp.where(d2 <= dmin, lane, K)
    idx_ref[:] = jnp.min(masked, axis=1, keepdims=True)


def _decode_kernel(zq_ref, D1_ref, d1_ref, D2_ref, d2_ref, D3_ref, d3_ref,
                   D4_ref, d4_ref, out_ref):
    f32 = jnp.float32
    dot = functools.partial(jnp.dot, preferred_element_type=f32)
    h = jnp.maximum(dot(zq_ref[:], D1_ref[:]) + d1_ref[:], 0.0)
    h = jnp.maximum(dot(h, D2_ref[:]) + d2_ref[:], 0.0)
    h = jnp.maximum(dot(h, D3_ref[:]) + d3_ref[:], 0.0)
    out_ref[:] = dot(h, D4_ref[:]) + d4_ref[:]


def _sc_gather(codebook, idx):
    GD = codebook.shape[1]
    info = plsc.get_sparse_core_info()
    NC, NS = info.num_cores, info.num_subcores
    NW = NC * NS
    b_per_w = B // NW
    mesh = plsc.VectorSubcoreMesh(core_axis_name="c", subcore_axis_name="s")

    @functools.partial(
        pl.kernel, mesh=mesh,
        out_type=jax.ShapeDtypeStruct((B, GD), jnp.float32),
        scratch_types=[
            pltpu.VMEM((b_per_w,), jnp.int32),
            pltpu.VMEM((b_per_w, GD), jnp.float32),
            pltpu.SemaphoreType.DMA,
        ],
    )
    def k(table_hbm, idx_hbm, out_hbm, idx_v, rows_v, sem):
        wid = jax.lax.axis_index("s") * NC + jax.lax.axis_index("c")
        base = wid * b_per_w
        pltpu.sync_copy(idx_hbm.at[pl.ds(base, b_per_w)], idx_v)
        pltpu.async_copy(table_hbm.at[idx_v], rows_v, sem).wait()
        pltpu.sync_copy(rows_v, out_hbm.at[pl.ds(base, b_per_w)])

    return k(codebook, idx)


def kernel(x, W1, b1, W2, b2, W3, b3, codebook, D1, d1, D2, d2, D3, d3, D4, d4):
    b1r, b2r, b3r = b1[None, :], b2[None, :], b3[None, :]
    d1r, d2r, d3r, d4r = d1[None, :], d2[None, :], d3[None, :], d4[None, :]
    cbT = codebook.T

    grid = (B // BM,)
    row_spec = lambda n: pl.BlockSpec((BM, n), lambda i: (i, 0))
    full = lambda a: pl.BlockSpec(a.shape, lambda i: tuple(0 for _ in a.shape))

    idx = pl.pallas_call(
        _encode_kernel,
        grid=grid,
        in_specs=[
            row_spec(INPUT_DIMS),
            full(W1), full(b1r), full(W2), full(b2r), full(W3), full(b3r),
            full(cbT),
        ],
        out_specs=pl.BlockSpec((BM, 1), lambda i: (i, 0)),
        out_shape=jax.ShapeDtypeStruct((B, 1), jnp.int32),
        compiler_params=pltpu.CompilerParams(
            dimension_semantics=("parallel",),
        ),
    )(x, W1, b1r, W2, b2r, W3, b3r, cbT)

    cb_pad = jnp.pad(codebook, ((0, 0), (0, 128 - CODE_DIM)))
    z_q = _sc_gather(cb_pad, idx.reshape(B))[:, :CODE_DIM]

    out = pl.pallas_call(
        _decode_kernel,
        grid=grid,
        in_specs=[
            row_spec(CODE_DIM),
            full(D1), full(d1r), full(D2), full(d2r), full(D3), full(d3r),
            full(D4), full(d4r),
        ],
        out_specs=row_spec(NUM_ACTIONS),
        out_shape=jax.ShapeDtypeStruct((B, NUM_ACTIONS), jnp.float32),
        compiler_params=pltpu.CompilerParams(
            dimension_semantics=("parallel",),
        ),
    )(z_q, D1, d1r, D2, d2r, D3, d3r, D4, d4r)
    return out

# --- scband reference (transcript-rebuilt; emitter-appended) ---
"""Pipeline reference for scband-vqvaeblock-61907658604552 (READ-ONLY COPY).

The authoritative reference and input builder live on the scoring server;
editing this copy changes nothing except your own understanding.
"""

import jax, jax.numpy as jnp
import numpy as np

B, INPUT_DIMS, CODE_DIM, K, NUM_ACTIONS = 8192, 768, 64, 512, 768


def _lin_w(key, fan_in, fan_out):
    s = 1.0 / np.sqrt(fan_in)
    return jax.random.uniform(key, (fan_in, fan_out), minval=-s, maxval=s, dtype=jnp.float32)


def _lin_b(key, fan_in, fan_out):
    s = 1.0 / np.sqrt(fan_in)
    return jax.random.uniform(key, (fan_out,), minval=-s, maxval=s, dtype=jnp.float32)


def setup_inputs(seed: int = 0) -> dict:
    key = jax.random.key(seed)
    ks = jax.random.split(key, 20)
    x = jax.random.normal(ks[0], (B, INPUT_DIMS), dtype=jnp.float32)
    # encoder: Linear(768,256) ReLU Linear(256,256) ReLU Linear(256,64)
    W1, b1 = _lin_w(ks[1], INPUT_DIMS, 256), _lin_b(ks[2], INPUT_DIMS, 256)
    W2, b2 = _lin_w(ks[3], 256, 256), _lin_b(ks[4], 256, 256)
    W3, b3 = _lin_w(ks[5], 256, CODE_DIM), _lin_b(ks[6], 256, CODE_DIM)
    # codebook ~ N(0,1) per module init
    codebook = jax.random.normal(ks[7], (K, CODE_DIM), dtype=jnp.float32)
    # decoder: Linear(64,128) ReLU Linear(128,256) ReLU Linear(256,256) ReLU Linear(256,768)
    D1, d1 = _lin_w(ks[8], CODE_DIM, 128), _lin_b(ks[9], CODE_DIM, 128)
    D2, d2 = _lin_w(ks[10], 128, 256), _lin_b(ks[11], 128, 256)
    D3, d3 = _lin_w(ks[12], 256, 256), _lin_b(ks[13], 256, 256)
    D4, d4 = _lin_w(ks[14], 256, NUM_ACTIONS), _lin_b(ks[15], 256, NUM_ACTIONS)
    return {"x": x, "W1": W1, "b1": b1, "W2": W2, "b2": b2, "W3": W3, "b3": b3,
            "codebook": codebook, "D1": D1, "d1": d1, "D2": D2, "d2": d2,
            "D3": D3, "d3": d3, "D4": D4, "d4": d4}


def reference(x, W1, b1, W2, b2, W3, b3, codebook, D1, d1, D2, d2, D3, d3, D4, d4):
    h = jax.nn.relu(x @ W1 + b1)
    h = jax.nn.relu(h @ W2 + b2)
    z_e = h @ W3 + b3
    # distances: ||z_e[b] - codebook[k]||_2 -> [B, K]
    diff = z_e[:, None, :] - codebook[None, :, :]
    distances = jnp.linalg.norm(diff, axis=-1)
    encoding_indices = jnp.argmin(distances, axis=1)
    z_q = jnp.take(codebook, encoding_indices, axis=0)
    # straight-through estimator
    z_q = z_e + jax.lax.stop_gradient(z_q - z_e)
    h = jax.nn.relu(z_q @ D1 + d1)
    h = jax.nn.relu(h @ D2 + d2)
    h = jax.nn.relu(h @ D3 + d3)
    x_recon = h @ D4 + d4
    return x_recon

if __name__ == "__main__":
    import jax
    _d = setup_inputs()
    print(jax.jit(kernel)(*tuple(_d.values())))

</pallas_src>

<mosaic_0001>
#map = affine_map<(d0, d1) -> (0, 0)>
#map1 = affine_map<(d0, d1) -> (0)>
module attributes {stable_mosaic.version = 14 : i64} {
  func.func @k(%arg0: i32, %arg1: i32, %arg2: memref<512x128xf32, #tpu.memory_space<hbm>>, %arg3: memref<8192xi32, #tpu.memory_space<hbm>>, %arg4: memref<8192x128xf32, #tpu.memory_space<hbm>>, %arg5: memref<256xi32, #tpu.memory_space<vmem>>, %arg6: memref<256x128xf32, #tpu.memory_space<vmem>>, %arg7: memref<!tpu.dma_semaphore, #tpu.memory_space<semaphore_mem>>) attributes {dimension_semantics = [#tpu.dimension_semantics<core_parallel>, #tpu.dimension_semantics<subcore_parallel>], iteration_bounds = array<i64: 2, 16>, scalar_prefetch = 0 : i64, scratch_operands = 3 : i64, tpu.core_type = #tpu.core_type<sc_vector_subcore>, window_params = [{transform_indices = #map}, {transform_indices = #map1}, {transform_indices = #map}]} {
    %mul3A = arith.constant 2 : i32
    %mul3A_0 = arith.muli %arg1, %mul3A : i32
    %add3A = arith.addi %mul3A_0, %arg0 : i32
    %mul3A_1 = arith.constant 256 : i32
    %mul3A_2 = arith.muli %add3A, %mul3A_1 : i32
    "tpu.region"() ({
      %run_scoped3A = tpu.sem_alloc : memref<!tpu.dma_semaphore, #tpu.memory_space<semaphore_mem>>
      %dma_start3A_7 = tpu.memref_slice %arg3[%mul3A_2] : memref<8192xi32, #tpu.memory_space<hbm>> -> memref<256xi32, #tpu.memory_space<hbm>>
      %dma_start3A_8 = tpu.memref_slice %arg3[%mul3A_2] : memref<8192xi32, #tpu.memory_space<hbm>> -> memref<256xi32, #tpu.memory_space<hbm>>
      tpu.enqueue_dma source(%dma_start3A_8 : memref<256xi32, #tpu.memory_space<hbm>>) target(%arg5 : memref<256xi32, #tpu.memory_space<vmem>>) target_semaphore(%run_scoped3A : memref<!tpu.dma_semaphore, #tpu.memory_space<semaphore_mem>>)
      %dma_wait3A_9 = tpu.memref_slice %arg3[%mul3A_2] : memref<8192xi32, #tpu.memory_space<hbm>> -> memref<256xi32, #tpu.memory_space<hbm>>
      %dma_wait3A_10 = tpu.memref_slice %arg3[%mul3A_2] : memref<8192xi32, #tpu.memory_space<hbm>> -> memref<256xi32, #tpu.memory_space<hbm>>
      tpu.wait_dma2 semaphore(%run_scoped3A : memref<!tpu.dma_semaphore, #tpu.memory_space<semaphore_mem>>) src(%dma_wait3A_10 : memref<256xi32, #tpu.memory_space<hbm>>) dst(%arg5 : memref<256xi32, #tpu.memory_space<vmem>>)
      tpu.yield
    }) : () -> ()
    %dma_start3A = arith.constant 0 : i32
    %dma_start3A_3 = arith.constant 0 : i32
    %dma_start3A_4 = tpu.memref_slice %arg2[%dma_start3A, %dma_start3A_3] : memref<512x128xf32, #tpu.memory_space<hbm>> -> memref<512x128xf32, #tpu.memory_space<hbm>>
    tpu.enqueue_indirect_dma source(%dma_start3A_4 : memref<512x128xf32, #tpu.memory_space<hbm>>) target(%arg6 : memref<256x128xf32, #tpu.memory_space<vmem>>) offsets(%arg5 : memref<256xi32, #tpu.memory_space<vmem>>) semaphore(%arg7 : memref<!tpu.dma_semaphore, #tpu.memory_space<semaphore_mem>>)
    %dma_wait3A = arith.constant 0 : i32
    %dma_wait3A_5 = arith.constant 0 : i32
    %dma_wait3A_6 = tpu.memref_slice %arg2[%dma_wait3A, %dma_wait3A_5] : memref<512x128xf32, #tpu.memory_space<hbm>> -> memref<512x128xf32, #tpu.memory_space<hbm>>
    tpu.wait_indirect_dma semaphore(%arg7 : memref<!tpu.dma_semaphore, #tpu.memory_space<semaphore_mem>>) src(%dma_wait3A_6 : memref<512x128xf32, #tpu.memory_space<hbm>>) dst(%arg6 : memref<256x128xf32, #tpu.memory_space<vmem>>)
    "tpu.region"() ({
      %run_scoped3A = tpu.sem_alloc : memref<!tpu.dma_semaphore, #tpu.memory_space<semaphore_mem>>
      %dma_start3A_7 = arith.constant 0 : i32
      %dma_start3A_8 = tpu.memref_slice %arg4[%mul3A_2, %dma_start3A_7] : memref<8192x128xf32, #tpu.memory_space<hbm>> -> memref<256x128xf32, #tpu.memory_space<hbm>>
      %dma_start3A_9 = arith.constant 0 : i32
      %dma_start3A_10 = tpu.memref_slice %arg4[%mul3A_2, %dma_start3A_9] : memref<8192x128xf32, #tpu.memory_space<hbm>> -> memref<256x128xf32, #tpu.memory_space<hbm>>
      tpu.enqueue_dma source(%arg6 : memref<256x128xf32, #tpu.memory_space<vmem>>) target(%dma_start3A_10 : memref<256x128xf32, #tpu.memory_space<hbm>>) target_semaphore(%run_scoped3A : memref<!tpu.dma_semaphore, #tpu.memory_space<semaphore_mem>>)
      %dma_wait3A_11 = arith.constant 0 : i32
      %dma_wait3A_12 = tpu.memref_slice %arg4[%mul3A_2, %dma_wait3A_11] : memref<8192x128xf32, #tpu.memory_space<hbm>> -> memref<256x128xf32, #tpu.memory_space<hbm>>
      %dma_wait3A_13 = arith.constant 0 : i32
      %dma_wait3A_14 = tpu.memref_slice %arg4[%mul3A_2, %dma_wait3A_13] : memref<8192x128xf32, #tpu.memory_space<hbm>> -> memref<256x128xf32, #tpu.memory_space<hbm>>
      tpu.wait_dma2 semaphore(%run_scoped3A : memref<!tpu.dma_semaphore, #tpu.memory_space<semaphore_mem>>) src(%arg6 : memref<256x128xf32, #tpu.memory_space<vmem>>) dst(%dma_wait3A_14 : memref<256x128xf32, #tpu.memory_space<hbm>>)
      tpu.yield
    }) : () -> ()
    return
  }
}

module attributes {stable_mosaic.version = 14 : i64} {
  func.func @_encode_kernel(%arg0: i32, %arg1: memref<2048x768xf32, #tpu.memory_space<vmem>>, %arg2: memref<768x256xf32, #tpu.memory_space<vmem>>, %arg3: memref<1x256xf32, #tpu.memory_space<vmem>>, %arg4: memref<256x256xf32, #tpu.memory_space<vmem>>, %arg5: memref<1x256xf32, #tpu.memory_space<vmem>>, %arg6: memref<256x64xf32, #tpu.memory_space<vmem>>, %arg7: memref<1x64xf32, #tpu.memory_space<vmem>>, %arg8: memref<64x512xf32, #tpu.memory_space<vmem>>, %arg9: memref<2048x1xi32, #tpu.memory_space<vmem>>) attributes {dimension_semantics = [#tpu.dimension_semantics<parallel>], iteration_bounds = array<i64: 4>, scalar_prefetch = 0 : i64, scratch_operands = 0 : i64, tpu.core_type = #tpu.core_type<tc>, window_params = [{transform_indices = @transform_0, window_bounds = array<i64: 2048, 768>}, {pipeline_mode = #tpu.pipeline_mode<synchronous>, transform_indices = @transform_1, window_bounds = array<i64: 768, 256>}, {pipeline_mode = #tpu.pipeline_mode<synchronous>, transform_indices = @transform_2, window_bounds = array<i64: 1, 256>}, {pipeline_mode = #tpu.pipeline_mode<synchronous>, transform_indices = @transform_3, window_bounds = array<i64: 256, 256>}, {pipeline_mode = #tpu.pipeline_mode<synchronous>, transform_indices = @transform_4, window_bounds = array<i64: 1, 256>}, {pipeline_mode = #tpu.pipeline_mode<synchronous>, transform_indices = @transform_5, window_bounds = array<i64: 256, 64>}, {pipeline_mode = #tpu.pipeline_mode<synchronous>, transform_indices = @transform_6, window_bounds = array<i64: 1, 64>}, {pipeline_mode = #tpu.pipeline_mode<synchronous>, transform_indices = @transform_7, window_bounds = array<i64: 64, 512>}, {transform_indices = @transform_8, window_bounds = array<i64: 2048, 1>}]} {
    %get3A = arith.constant 0 : index
    %get3A_0 = arith.constant 0 : index
    %get3A_1 = vector.load %arg1[%get3A, %get3A_0] : memref<2048x768xf32, #tpu.memory_space<vmem>>, vector<2048x768xf32>
    %get3A_2 = arith.constant 0 : index
    %get3A_3 = arith.constant 0 : index
    %get3A_4 = vector.load %arg2[%get3A_2, %get3A_3] : memref<768x256xf32, #tpu.memory_space<vmem>>, vector<768x256xf32>
    %dot_general3A = arith.constant dense<0.000000e+00> : vector<2048x256xf32>
    %dot_general3A_5 = tpu.matmul %get3A_1, %get3A_4, %dot_general3A {dimension_numbers = #tpu.dot_dimension_numbers<[1], [0], [0], [1], [0, 0, 1, 1], [], []>, transpose_lhs_hint = false} : vector<2048x768xf32>, vector<768x256xf32>, vector<2048x256xf32> -> vector<2048x256xf32>
    %get3A_6 = arith.constant 0 : index
    %get3A_7 = arith.constant 0 : index
    %get3A_8 = vector.load %arg3[%get3A_6, %get3A_7] : memref<1x256xf32, #tpu.memory_space<vmem>>, vector<1x256xf32>
    %add3A = vector.broadcast %get3A_8 : vector<1x256xf32> to vector<2048x256xf32>
    %add3A_9 = arith.addf %dot_general3A_5, %add3A : vector<2048x256xf32>
    %max3A = arith.constant 0.000000e+00 : f32
    %max3A_10 = vector.broadcast %max3A : f32 to vector<2048x256xf32>
    %max3A_11 = arith.maximumf %add3A_9, %max3A_10 : vector<2048x256xf32>
    %get3A_12 = arith.constant 0 : index
    %get3A_13 = arith.constant 0 : index
    %get3A_14 = vector.load %arg4[%get3A_12, %get3A_13] : memref<256x256xf32, #tpu.memory_space<vmem>>, vector<256x256xf32>
    %dot_general3A_15 = arith.constant dense<0.000000e+00> : vector<2048x256xf32>
    %dot_general3A_16 = tpu.matmul %max3A_11, %get3A_14, %dot_general3A_15 {dimension_numbers = #tpu.dot_dimension_numbers<[1], [0], [0], [1], [0, 0, 1, 1], [], []>, transpose_lhs_hint = false} : vector<2048x256xf32>, vector<256x256xf32>, vector<2048x256xf32> -> vector<2048x256xf32>
    %get3A_17 = arith.constant 0 : index
    %get3A_18 = arith.constant 0 : index
    %get3A_19 = vector.load %arg5[%get3A_17, %get3A_18] : memref<1x256xf32, #tpu.memory_space<vmem>>, vector<1x256xf32>
    %add3A_20 = vector.broadcast %get3A_19 : vector<1x256xf32> to vector<2048x256xf32>
    %add3A_21 = arith.addf %dot_general3A_16, %add3A_20 : vector<2048x256xf32>
    %max3A_22 = arith.constant 0.000000e+00 : f32
    %max3A_23 = vector.broadcast %max3A_22 : f32 to vector<2048x256xf32>
    %max3A_24 = arith.maximumf %add3A_21, %max3A_23 : vector<2048x256xf32>
    %get3A_25 = arith.constant 0 : index
    %get3A_26 = arith.constant 0 : index
    %get3A_27 = vector.load %arg6[%get3A_25, %get3A_26] : memref<256x64xf32, #tpu.memory_space<vmem>>, vector<256x64xf32>
    %dot_general3A_28 = arith.constant dense<0.000000e+00> : vector<2048x64xf32>
    %dot_general3A_29 = tpu.matmul %max3A_24, %get3A_27, %dot_general3A_28 {dimension_numbers = #tpu.dot_dimension_numbers<[1], [0], [0], [1], [0, 0, 1, 1], [], []>, transpose_lhs_hint = false} : vector<2048x256xf32>, vector<256x64xf32>, vector<2048x64xf32> -> vector<2048x64xf32>
    %get3A_30 = arith.constant 0 : index
    %get3A_31 = arith.constant 0 : index
    %get3A_32 = vector.load %arg7[%get3A_30, %get3A_31] : memref<1x64xf32, #tpu.memory_space<vmem>>, vector<1x64xf32>
    %add3A_33 = vector.broadcast %get3A_32 : vector<1x64xf32> to vector<2048x64xf32>
    %add3A_34 = arith.addf %dot_general3A_29, %add3A_33 : vector<2048x64xf32>
    %get3A_35 = arith.constant 0 : index
    %get3A_36 = arith.constant 0 : index
    %get3A_37 = vector.load %arg8[%get3A_35, %get3A_36] : memref<64x512xf32, #tpu.memory_space<vmem>>, vector<64x512xf32>
    %mul3A = arith.mulf %get3A_37, %get3A_37 : vector<64x512xf32>
    %reduce_sum3A = arith.constant dense<0.000000e+00> : vector<512xf32>
    %reduce_sum3A_38 = vector.multi_reduction <add>, %mul3A, %reduce_sum3A [0] : vector<64x512xf32> to vector<512xf32>
    %broadcast_in_dim3A = vector.shape_cast %reduce_sum3A_38 : vector<512xf32> to vector<1x512xf32>
    %dot_general3A_39 = arith.constant dense<0.000000e+00> : vector<2048x512xf32>
    %dot_general3A_40 = tpu.matmul %add3A_34, %get3A_37, %dot_general3A_39 {dimension_numbers = #tpu.dot_dimension_numbers<[1], [0], [0], [1], [0, 0, 1, 1], [], []>, precision = #tpu.contract_precision<fp32>, transpose_lhs_hint = false} : vector<2048x64xf32>, vector<64x512xf32>, vector<2048x512xf32> -> vector<2048x512xf32>
    %mul3A_41 = arith.constant 2.000000e+00 : f32
    %mul3A_42 = vector.broadcast %mul3A_41 : f32 to vector<2048x512xf32>
    %mul3A_43 = arith.mulf %mul3A_42, %dot_general3A_40 : vector<2048x512xf32>
    %sub3A = vector.broadcast %broadcast_in_dim3A : vector<1x512xf32> to vector<2048x512xf32>
    %sub3A_44 = arith.subf %sub3A, %mul3A_43 : vector<2048x512xf32>
    %reduce_min3A = arith.constant dense<0x7F800000> : vector<2048xf32>
    %reduce_min3A_45 = vector.multi_reduction <minimumf>, %sub3A_44, %reduce_min3A [1] : vector<2048x512xf32> to vector<2048xf32>
    %broadcast_in_dim3A_46 = vector.shape_cast %reduce_min3A_45 : vector<2048xf32> to vector<2048x1xf32>
    %iota3A = tpu.iota {dimensions = array<i32: 1>} : vector<2048x512xi32>
    %le3A = vector.broadcast %broadcast_in_dim3A_46 : vector<2048x1xf32> to vector<2048x512xf32>
    %le3A_47 = arith.cmpf ole, %sub3A_44, %le3A : vector<2048x512xf32>
    %jit3A = arith.constant 512 : i32
    %broadcast_in_dim3A_48 = vector.broadcast %jit3A : i32 to vector<2048x512xi32>
    %select_n3A = arith.select %le3A_47, %iota3A, %broadcast_in_dim3A_48 : vector<2048x512xi1>, vector<2048x512xi32>
    %reduce_min3A_49 = arith.constant dense<2147483647> : vector<2048xi32>
    %reduce_min3A_50 = vector.multi_reduction <minsi>, %select_n3A, %reduce_min3A_49 [1] : vector<2048x512xi32> to vector<2048xi32>
    %broadcast_in_dim3A_51 = vector.shape_cast %reduce_min3A_50 : vector<2048xi32> to vector<2048x1xi32>
    %swap3A = arith.constant 0 : index
    %swap3A_52 = arith.constant 0 : index
    %swap3A_53 = vector.load %arg9[%swap3A, %swap3A_52] : memref<2048x1xi32, #tpu.memory_space<vmem>>, vector<2048x1xi32>
    tpu.vector_store %arg9[%swap3A, %swap3A_52], %broadcast_in_dim3A_51 {strides = array<i32>} : memref<2048x1xi32, #tpu.memory_space<vmem>>, vector<2048x1xi32>,
    return
  }
  func.func @transform_0(%arg0: i32) -> (i32, i32) {
    %c0_i32 = arith.constant 0 : i32
    %c0_i32_0 = arith.constant 0 : i32
    return %arg0, %c0_i32 : i32, i32
  }
  func.func @transform_1(%arg0: i32) -> (i32, i32) {
    %c0_i32 = arith.constant 0 : i32
    %c0_i32_0 = arith.constant 0 : i32
    %c0_i32_1 = arith.constant 0 : i32
    return %c0_i32, %c0_i32_0 : i32, i32
  }
  func.func @transform_2(%arg0: i32) -> (i32, i32) {
    %c0_i32 = arith.constant 0 : i32
    %c0_i32_0 = arith.constant 0 : i32
    %c0_i32_1 = arith.constant 0 : i32
    return %c0_i32, %c0_i32_0 : i32, i32
  }
  func.func @transform_3(%arg0: i32) -> (i32, i32) {
    %c0_i32 = arith.constant 0 : i32
    %c0_i32_0 = arith.constant 0 : i32
    %c0_i32_1 = arith.constant 0 : i32
    return %c0_i32, %c0_i32_0 : i32, i32
  }
  func.func @transform_4(%arg0: i32) -> (i32, i32) {
    %c0_i32 = arith.constant 0 : i32
    %c0_i32_0 = arith.constant 0 : i32
    %c0_i32_1 = arith.constant 0 : i32
    return %c0_i32, %c0_i32_0 : i32, i32
  }
  func.func @transform_5(%arg0: i32) -> (i32, i32) {
    %c0_i32 = arith.constant 0 : i32
    %c0_i32_0 = arith.constant 0 : i32
    %c0_i32_1 = arith.constant 0 : i32
    return %c0_i32, %c0_i32_0 : i32, i32
  }
  func.func @transform_6(%arg0: i32) -> (i32, i32) {
    %c0_i32 = arith.constant 0 : i32
    %c0_i32_0 = arith.constant 0 : i32
    %c0_i32_1 = arith.constant 0 : i32
    return %c0_i32, %c0_i32_0 : i32, i32
  }
  func.func @transform_7(%arg0: i32) -> (i32, i32) {
    %c0_i32 = arith.constant 0 : i32
    %c0_i32_0 = arith.constant 0 : i32
    %c0_i32_1 = arith.constant 0 : i32
    return %c0_i32, %c0_i32_0 : i32, i32
  }
  func.func @transform_8(%arg0: i32) -> (i32, i32) {
    %c0_i32 = arith.constant 0 : i32
    %c0_i32_0 = arith.constant 0 : i32
    return %arg0, %c0_i32 : i32, i32
  }
}

module attributes {stable_mosaic.version = 14 : i64} {
  func.func @_decode_kernel(%arg0: i32, %arg1: memref<2048x64xf32, #tpu.memory_space<vmem>>, %arg2: memref<64x128xf32, #tpu.memory_space<vmem>>, %arg3: memref<1x128xf32, #tpu.memory_space<vmem>>, %arg4: memref<128x256xf32, #tpu.memory_space<vmem>>, %arg5: memref<1x256xf32, #tpu.memory_space<vmem>>, %arg6: memref<256x256xf32, #tpu.memory_space<vmem>>, %arg7: memref<1x256xf32, #tpu.memory_space<vmem>>, %arg8: memref<256x768xf32, #tpu.memory_space<vmem>>, %arg9: memref<1x768xf32, #tpu.memory_space<vmem>>, %arg10: memref<2048x768xf32, #tpu.memory_space<vmem>>) attributes {dimension_semantics = [#tpu.dimension_semantics<parallel>], iteration_bounds = array<i64: 4>, scalar_prefetch = 0 : i64, scratch_operands = 0 : i64, tpu.core_type = #tpu.core_type<tc>, window_params = [{transform_indices = @transform_0, window_bounds = array<i64: 2048, 64>}, {pipeline_mode = #tpu.pipeline_mode<synchronous>, transform_indices = @transform_1, window_bounds = array<i64: 64, 128>}, {pipeline_mode = #tpu.pipeline_mode<synchronous>, transform_indices = @transform_2, window_bounds = array<i64: 1, 128>}, {pipeline_mode = #tpu.pipeline_mode<synchronous>, transform_indices = @transform_3, window_bounds = array<i64: 128, 256>}, {pipeline_mode = #tpu.pipeline_mode<synchronous>, transform_indices = @transform_4, window_bounds = array<i64: 1, 256>}, {pipeline_mode = #tpu.pipeline_mode<synchronous>, transform_indices = @transform_5, window_bounds = array<i64: 256, 256>}, {pipeline_mode = #tpu.pipeline_mode<synchronous>, transform_indices = @transform_6, window_bounds = array<i64: 1, 256>}, {pipeline_mode = #tpu.pipeline_mode<synchronous>, transform_indices = @transform_7, window_bounds = array<i64: 256, 768>}, {pipeline_mode = #tpu.pipeline_mode<synchronous>, transform_indices = @transform_8, window_bounds = array<i64: 1, 768>}, {transform_indices = @transform_9, window_bounds = array<i64: 2048, 768>}]} {
    %get3A = arith.constant 0 : index
    %get3A_0 = arith.constant 0 : index
    %get3A_1 = vector.load %arg1[%get3A, %get3A_0] : memref<2048x64xf32, #tpu.memory_space<vmem>>, vector<2048x64xf32>
    %get3A_2 = arith.constant 0 : index
    %get3A_3 = arith.constant 0 : index
    %get3A_4 = vector.load %arg2[%get3A_2, %get3A_3] : memref<64x128xf32, #tpu.memory_space<vmem>>, vector<64x128xf32>
    %dot_general3A = arith.constant dense<0.000000e+00> : vector<2048x128xf32>
    %dot_general3A_5 = tpu.matmul %get3A_1, %get3A_4, %dot_general3A {dimension_numbers = #tpu.dot_dimension_numbers<[1], [0], [0], [1], [0, 0, 1, 1], [], []>, transpose_lhs_hint = false} : vector<2048x64xf32>, vector<64x128xf32>, vector<2048x128xf32> -> vector<2048x128xf32>
    %get3A_6 = arith.constant 0 : index
    %get3A_7 = arith.constant 0 : index
    %get3A_8 = vector.load %arg3[%get3A_6, %get3A_7] : memref<1x128xf32, #tpu.memory_space<vmem>>, vector<1x128xf32>
    %add3A = vector.broadcast %get3A_8 : vector<1x128xf32> to vector<2048x128xf32>
    %add3A_9 = arith.addf %dot_general3A_5, %add3A : vector<2048x128xf32>
    %max3A = arith.constant 0.000000e+00 : f32
    %max3A_10 = vector.broadcast %max3A : f32 to vector<2048x128xf32>
    %max3A_11 = arith.maximumf %add3A_9, %max3A_10 : vector<2048x128xf32>
    %get3A_12 = arith.constant 0 : index
    %get3A_13 = arith.constant 0 : index
    %get3A_14 = vector.load %arg4[%get3A_12, %get3A_13] : memref<128x256xf32, #tpu.memory_space<vmem>>, vector<128x256xf32>
    %dot_general3A_15 = arith.constant dense<0.000000e+00> : vector<2048x256xf32>
    %dot_general3A_16 = tpu.matmul %max3A_11, %get3A_14, %dot_general3A_15 {dimension_numbers = #tpu.dot_dimension_numbers<[1], [0], [0], [1], [0, 0, 1, 1], [], []>, transpose_lhs_hint = false} : vector<2048x128xf32>, vector<128x256xf32>, vector<2048x256xf32> -> vector<2048x256xf32>
    %get3A_17 = arith.constant 0 : index
    %get3A_18 = arith.constant 0 : index
    %get3A_19 = vector.load %arg5[%get3A_17, %get3A_18] : memref<1x256xf32, #tpu.memory_space<vmem>>, vector<1x256xf32>
    %add3A_20 = vector.broadcast %get3A_19 : vector<1x256xf32> to vector<2048x256xf32>
    %add3A_21 = arith.addf %dot_general3A_16, %add3A_20 : vector<2048x256xf32>
    %max3A_22 = arith.constant 0.000000e+00 : f32
    %max3A_23 = vector.broadcast %max3A_22 : f32 to vector<2048x256xf32>
    %max3A_24 = arith.maximumf %add3A_21, %max3A_23 : vector<2048x256xf32>
    %get3A_25 = arith.constant 0 : index
    %get3A_26 = arith.constant 0 : index
    %get3A_27 = vector.load %arg6[%get3A_25, %get3A_26] : memref<256x256xf32, #tpu.memory_space<vmem>>, vector<256x256xf32>
    %dot_general3A_28 = arith.constant dense<0.000000e+00> : vector<2048x256xf32>
    %dot_general3A_29 = tpu.matmul %max3A_24, %get3A_27, %dot_general3A_28 {dimension_numbers = #tpu.dot_dimension_numbers<[1], [0], [0], [1], [0, 0, 1, 1], [], []>, transpose_lhs_hint = false} : vector<2048x256xf32>, vector<256x256xf32>, vector<2048x256xf32> -> vector<2048x256xf32>
    %get3A_30 = arith.constant 0 : index
    %get3A_31 = arith.constant 0 : index
    %get3A_32 = vector.load %arg7[%get3A_30, %get3A_31] : memref<1x256xf32, #tpu.memory_space<vmem>>, vector<1x256xf32>
    %add3A_33 = vector.broadcast %get3A_32 : vector<1x256xf32> to vector<2048x256xf32>
    %add3A_34 = arith.addf %dot_general3A_29, %add3A_33 : vector<2048x256xf32>
    %max3A_35 = arith.constant 0.000000e+00 : f32
    %max3A_36 = vector.broadcast %max3A_35 : f32 to vector<2048x256xf32>
    %max3A_37 = arith.maximumf %add3A_34, %max3A_36 : vector<2048x256xf32>
    %get3A_38 = arith.constant 0 : index
    %get3A_39 = arith.constant 0 : index
    %get3A_40 = vector.load %arg8[%get3A_38, %get3A_39] : memref<256x768xf32, #tpu.memory_space<vmem>>, vector<256x768xf32>
    %dot_general3A_41 = arith.constant dense<0.000000e+00> : vector<2048x768xf32>
    %dot_general3A_42 = tpu.matmul %max3A_37, %get3A_40, %dot_general3A_41 {dimension_numbers = #tpu.dot_dimension_numbers<[1], [0], [0], [1], [0, 0, 1, 1], [], []>, transpose_lhs_hint = false} : vector<2048x256xf32>, vector<256x768xf32>, vector<2048x768xf32> -> vector<2048x768xf32>
    %get3A_43 = arith.constant 0 : index
    %get3A_44 = arith.constant 0 : index
    %get3A_45 = vector.load %arg9[%get3A_43, %get3A_44] : memref<1x768xf32, #tpu.memory_space<vmem>>, vector<1x768xf32>
    %add3A_46 = vector.broadcast %get3A_45 : vector<1x768xf32> to vector<2048x768xf32>
    %add3A_47 = arith.addf %dot_general3A_42, %add3A_46 : vector<2048x768xf32>
    %swap3A = arith.constant 0 : index
    %swap3A_48 = arith.constant 0 : index
    %swap3A_49 = vector.load %arg10[%swap3A, %swap3A_48] : memref<2048x768xf32, #tpu.memory_space<vmem>>, vector<2048x768xf32>
    tpu.vector_store %arg10[%swap3A, %swap3A_48], %add3A_47 {strides = array<i32>} : memref<2048x768xf32, #tpu.memory_space<vmem>>, vector<2048x768xf32>,
    return
  }
  func.func @transform_0(%arg0: i32) -> (i32, i32) {
    %c0_i32 = arith.constant 0 : i32
    %c0_i32_0 = arith.constant 0 : i32
    return %arg0, %c0_i32 : i32, i32
  }
  func.func @transform_1(%arg0: i32) -> (i32, i32) {
    %c0_i32 = arith.constant 0 : i32
    %c0_i32_0 = arith.constant 0 : i32
    %c0_i32_1 = arith.constant 0 : i32
    return %c0_i32, %c0_i32_0 : i32, i32
  }
  func.func @transform_2(%arg0: i32) -> (i32, i32) {
    %c0_i32 = arith.constant 0 : i32
    %c0_i32_0 = arith.constant 0 : i32
    %c0_i32_1 = arith.constant 0 : i32
    return %c0_i32, %c0_i32_0 : i32, i32
  }
  func.func @transform_3(%arg0: i32) -> (i32, i32) {
    %c0_i32 = arith.constant 0 : i32
    %c0_i32_0 = arith.constant 0 : i32
    %c0_i32_1 = arith.constant 0 : i32
    return %c0_i32, %c0_i32_0 : i32, i32
  }
  func.func @transform_4(%arg0: i32) -> (i32, i32) {
    %c0_i32 = arith.constant 0 : i32
    %c0_i32_0 = arith.constant 0 : i32
    %c0_i32_1 = arith.constant 0 : i32
    return %c0_i32, %c0_i32_0 : i32, i32
  }
  func.func @transform_5(%arg0: i32) -> (i32, i32) {
    %c0_i32 = arith.constant 0 : i32
    %c0_i32_0 = arith.constant 0 : i32
    %c0_i32_1 = arith.constant 0 : i32
    return %c0_i32, %c0_i32_0 : i32, i32
  }
  func.func @transform_6(%arg0: i32) -> (i32, i32) {
    %c0_i32 = arith.constant 0 : i32
    %c0_i32_0 = arith.constant 0 : i32
    %c0_i32_1 = arith.constant 0 : i32
    return %c0_i32, %c0_i32_0 : i32, i32
  }
  func.func @transform_7(%arg0: i32) -> (i32, i32) {
    %c0_i32 = arith.constant 0 : i32
    %c0_i32_0 = arith.constant 0 : i32
    %c0_i32_1 = arith.constant 0 : i32
    return %c0_i32, %c0_i32_0 : i32, i32
  }
  func.func @transform_8(%arg0: i32) -> (i32, i32) {
    %c0_i32 = arith.constant 0 : i32
    %c0_i32_0 = arith.constant 0 : i32
    %c0_i32_1 = arith.constant 0 : i32
    return %c0_i32, %c0_i32_0 : i32, i32
  }
  func.func @transform_9(%arg0: i32) -> (i32, i32) {
    %c0_i32 = arith.constant 0 : i32
    %c0_i32_0 = arith.constant 0 : i32
    return %arg0, %c0_i32 : i32, i32
  }
}

</mosaic_0001>

<sc_bundles>
// kernel: kernel.5.cloned.1.call-start
scs
__scs_entry_jumppad:
0x0: {  	(pc) =	sbr.rel $0x88, $3  }
0x1: {  	(tag) =	ssettag $0x0;
	lr =	simm.s32 $0x1  }
0x2: {  	[smem:$0x3F91] =	sst lr;
	_ =	strace $0xD0000000  }
0x3: {  	_ = 	snop  }
0x4: {  	_ = 	snop  }
0x5: {  	_ = 	snop  }
0x6: {  	_ = 	snop  }
0x7: {  	_ = 	snop  }
__scs_overlays_trampoline_lowered:
0x8: {  	[smem:$0x3FA0] =	sst s0  }
0x9: {  	[smem:$0x3FA1] =	sst s1  }
0xa: {  	[smem:$0x3FA2] =	sst s2  }
0xb: {  	[smem:$0x3FA3] =	sst s3  }
0xc: {  	[smem:$0x3FA4] =	sst s4  }
0xd: {  	[smem:$0x3FA5] =	sst s5  }
0xe: {  	[smem:$0x3FA6] =	sst s6  }
0xf: {  	[smem:$0x3FA7] =	sst s7  }
0x10: {  	[smem:$0x3FA8] =	sst s8  }
0x11: {  	[smem:$0x3FA9] =	sst s9;
	s0 =	simm.s32 @!p0 $0x0  }
0x12: {  	s1 =	sld [smem:$0x3F8F];
	s0 =	simm.s32 @p0 $0x1  }
0x13: {  	[smem:$0x3FAA] =	sst s0;
	s0 =	simm.s32 @!p1 $0x0  }
0x14: {  	s2 =	sld [smem:$0x3F8E];
	s0 =	simm.s32 @p1 $0x1  }
0x15: {  	[smem:$0x3FAB] =	sst s0;
	s0 =	simm.s32 @!p2 $0x0  }
0x16: {  	s3 =	sld [smem:$0x3FDB];
	s0 =	simm.s32 @p2 $0x1  }
0x17: {  	s4 =	simm.s32 $0x1BF5;
	[smem:$0x3FAD] =	sst s0  }
0x18: {  	s0 =	sld [smem:$0x3F90];
	_ =	swait.ge [sflag:s4], $0x0  }
0x19: {  	s7 =	sld [smem:$0x3F91]  }
0x1a: {  	s8 =	sadd.s32 $0xFFFFE003, lr  }
0x1b: {  	s9 =	sadd.s32 $0xFFFFFEF7, lr;
	s5 =	simm.s32 $0xFFFFFFFF;
	p2 =	slt.u32 s8, $0xFFFFF086  }
0x1c: {  	p1 =	slt.u32 s9, $0xF7A;
	s5 =	simm.s32 @!p2 $0x0  }
0x1d: {  	s5 =	simm.s32 @p1 $0x1;
	p0 =	seq.s32 s7, s2  }
0x1e: {  	s7 =	smul.u32 @!p0 $0xF7A, s2;
	p2 =	seq.s32 @!p0 s5, $0x0  }
0x1f: {  	s9 =	smul.u32 $0xF7A, s1;
	s8 =	simm.s32 @!p0 $0x1BF5;
	p2 =	por !p2, p0  }
0x20: {  	[sflag:s8] =	ssyncset.s32 @!p0 $0xFFFFF086;
	s6 =	sadd.s32 @!p0 s3, s7;
	s7 =	simm.s32 @!p0 $0x108  }
0x21: {  	s3 =	sadd.s32 s3, s9;
	s6 =	sadd.s32 @!p0 $0x88, s6;
	s7 =	simm.s32 @p2 $0x1082  }
0x22: {  	[simem:s7], [sflag:s8] =	dma.local @!p0 [hbm:s6], $0xF7A  }
0x23: {  	s9 =	sor.u32 $0xD0000000, s2;
	s6 =	simm.s32 $0x108;
	_ =	swait.ge @!p0 [sflag:s8], $0x0  }
0x24: {  	s3 =	sadd.s32 $0x88, s3;
	s6 =	simm.s32 @!p1 $0x1082;
	[sflag:s4] =	ssyncset.s32 $0xFFFFF086  }
0x25: {  	[simem:s6], [sflag:s4] =	dma.local [hbm:s3], $0xF7A  }
0x26: {  	[smem:$0x3F91] =	sst s1;
	(tag) =	ssettag s2;
	_ =	strace s9  }
0x27: {  	s1 =	sld [smem:$0x3FA1]  }
0x28: {  	s2 =	sld [smem:$0x3FA2]  }
0x29: {  	s4 =	sld [smem:$0x3FA4]  }
0x2a: {  	p0 =	seq.s32 s5, $0x0;
	s5 =	sld [smem:$0x3FA5]  }
0x2b: {  	s6 =	sld [smem:$0x3FA6]  }
0x2c: {  	s7 =	sld [smem:$0x3FA7]  }
0x2d: {  	s3 =	simm.s32 $0x108;
	s8 =	sld [smem:$0x3FA8]  }
0x2e: {  	s3 =	simm.s32 @!p0 $0x1082;
	s9 =	sld [smem:$0x3FA9]  }
0x2f: {  	lr =	sadd.s32 s0, s3;
	s0 =	sld [smem:$0x3FA0]  }
0x30: {  	s3 =	sld [smem:$0x3FA3]  }
0x31: {  	[smem:$0x3FAC] =	sst s10  }
0x32: {  	s10 =	sld [smem:$0x3FAA];
	_ =	sdelay $0x3  }
0x33: {  	p0 =	seq.s32 s10, $0x1;
	s10 =	sld [smem:$0x3FAC];
	_ =	sdelay $0x3  }
0x34: {  	[smem:$0x3FAC] =	sst s10  }
0x35: {  	s10 =	sld [smem:$0x3FAB];
	_ =	sdelay $0x3  }
0x36: {  	p1 =	seq.s32 s10, $0x1;
	s10 =	sld [smem:$0x3FAC];
	_ =	sdelay $0x3  }
0x37: {  	[smem:$0x3FAC] =	sst s10  }
0x38: {  	s10 =	sld [smem:$0x3FAD]  }
0x39: {  	_ = 	snop;
	(pc) =	sbr.ind lr, $3  }
0x3a: {  	_ = 	snop  }
0x3b: {  	_ = 	snop  }
0x3c: {  	p2 =	seq.s32 s10, $0x1;
	s10 =	sld [smem:$0x3FAC]  }
0x3d: {  	_ =	shalt  }
0x3e: {  	_ =	shalt  }
0x3f: {  	_ =	shalt  }
0x40: {  	_ =	shalt  }
0x41: {  	_ =	shalt  }
0x42: {  	_ =	shalt  }
0x43: {  	_ =	shalt  }
0x44: {  	_ =	shalt  }
0x45: {  	_ =	shalt  }
0x46: {  	_ =	shalt  }
0x47: {  	_ =	shalt  }
0x48: {  	_ =	shalt  }
0x49: {  	_ =	shalt  }
0x4a: {  	_ =	shalt  }
0x4b: {  	_ =	shalt  }
0x4c: {  	_ =	shalt  }
0x4d: {  	_ =	shalt  }
0x4e: {  	_ =	shalt  }
0x4f: {  	_ =	shalt  }
0x50: {  	_ =	shalt  }
0x51: {  	_ =	shalt  }
0x52: {  	_ =	shalt  }
0x53: {  	_ =	shalt  }
0x54: {  	_ =	shalt  }
0x55: {  	_ =	shalt  }
0x56: {  	_ =	shalt  }
0x57: {  	_ =	shalt  }
0x58: {  	_ =	shalt  }
0x59: {  	_ =	shalt  }
0x5a: {  	_ =	shalt  }
0x5b: {  	_ =	shalt  }
0x5c: {  	_ =	shalt  }
0x5d: {  	_ =	shalt  }
0x5e: {  	_ =	shalt  }
0x5f: {  	_ =	shalt  }
0x60: {  	_ =	shalt  }
0x61: {  	_ =	shalt  }
0x62: {  	_ =	shalt  }
0x63: {  	_ =	shalt  }
0x64: {  	_ =	shalt  }
0x65: {  	_ =	shalt  }
0x66: {  	_ =	shalt  }
0x67: {  	_ =	shalt  }
0x68: {  	_ =	shalt  }
0x69: {  	_ =	shalt  }
0x6a: {  	_ =	shalt  }
0x6b: {  	_ =	shalt  }
0x6c: {  	_ =	shalt  }
0x6d: {  	_ =	shalt  }
0x6e: {  	_ =	shalt  }
0x6f: {  	_ =	shalt  }
0x70: {  	_ =	shalt  }
0x71: {  	_ =	shalt  }
0x72: {  	_ =	shalt  }
0x73: {  	_ =	shalt  }
0x74: {  	_ =	shalt  }
0x75: {  	_ =	shalt  }
0x76: {  	_ =	shalt  }
0x77: {  	_ =	shalt  }
0x78: {  	_ =	shalt  }
0x79: {  	_ =	shalt  }
0x7a: {  	_ =	shalt  }
0x7b: {  	_ =	shalt  }
0x7c: {  	_ =	shalt  }
0x7d: {  	_ =	shalt  }
0x7e: {  	_ =	shalt  }
0x7f: {  	_ =	shalt  }
0x80: {  	_ =	shalt  }
0x81: {  	_ =	shalt  }
0x82: {  	_ =	shalt  }
0x83: {  	_ =	shalt  }
0x84: {  	_ =	shalt  }
0x85: {  	_ =	shalt  }
0x86: {  	_ =	shalt  }
0x87: {  	_ =	shalt  }
.Lfunc_end0:
.L_simem_size_0:
called_computation_lowered:
.L_overlay_start_0:
0x88: {  	s2 =	sld [smem:$0x3FD9]  }
0x89: {  	s3 =	sld [smem:$0x3FFE];
	_ =	sdelay $0x1  }
0x8a: {  	s1 =	srdreg.scid  }
0x8b: {  	s0 =	sand.u32 $0x1, s1  }
0x8c: {  	s17 =	sshll.u32 s0, $0xA;
	s2 =	sadd.s32 s3, s2  }
0x8d: {  	s2 =	sadd.s32 s2, s17  }
0x8e: {  	[smem:$0x3FB8] =	sst s2  }
0x8f: {  	_ = 	snop  }
0x90: {  	s2 =	sld [smem:$0x3FD0];
	(tm) =	ssettm $0x1  }
0x91: {  	s18 =	sld [smem:$0x3FFB];
	_ =	sdelay $0x3  }
0x92: {  	_ =	strace s18  }
0x93: {  	s3 =	sld [smem:$0x3FFC];
	_ =	sdelay $0x3  }
0x94: {  	_ =	strace s3  }
0x95: {  	s3 =	sld [smem:$0x3FFD];
	_ =	sdelay $0x3  }
0x96: {  	_ =	strace s3  }
0x97: {  	_ =	strace $0x8FFFFFFF  }
0x98: {  	s19 =	sld [smem:$0x3FDB];
	_ =	sdelay $0x1  }
0x99: {  	s4 =	simm.s32 $_scs_section_size  }
0x9a: {  	s5 =	simm.s32 $_size__tile_overlayer_lowered;
	s6 =	simm.s32 $_tile_overlayer_lowered  }
0x9b: {  	s22 =	simm.s32 $0x1BFF;
	s21 =	sshll.u32 s6, $0x1;
	s3 =	sadd.s32 s4, s19  }
0x9c: {  	s7 =	simm.s32 $0x0;
	s20 =	sshll.u32 s5, $0x1;
	s5 =	sadd.s32 s21, s3  }
0x9d: {  	[timem:s7], [sflag:s22] =	dma.local [hbm:s5], s20  }
0x9e: {  	_ =	swait.ge [sflag:s22], s20  }
0x9f: {  	s4 =	ssub.s32 $0x0, s20;
	[sflag:s22] =	ssyncset.done $0x0  }
0xa0: {  	[sflag:s22] =	ssyncadd.s32 s4;
	_ =	sdelay $0x1  }
0xa1: {  	s23 =	simm.s32 $0x1B8B  }
0xa2: {  	_ =	swait.ge [sflag:s23], $0x1  }
0xa3: {  	[sflag:s23] =	ssyncset.done $0x0  }
0xa4: {  	s25 =	simm.s32 $0x1B8E;
	s24 =	sld [smem:$0x3FFE];
	[sflag:s23] =	ssyncadd.s32 $0xFFFFFFFF  }
0xa5: {  	s26 =	simm.s32 $execute0_lowered;
	[smem:$0x3FD2] =	sst s25  }
0xa6: {  	s5 =	sshll.u32 s26, $0x1;
	_ =	strace $0x80000046;
	[dreg:$0x1] =	wrdreg $0xFFFFFFFF  }
0xa7: {  	s28 =	simm.s32 $_size_execute0_lowered;
	s3 =	sadd.s32 s3, s5;
	[dreg:$0x0] =	wrdreg $0x0  }
0xa8: {  	s5 =	sshll.u32 s28, $0x1;
	[dreg:$0x2] =	wrdreg s3  }
0xa9: {  	[dreg:$0x3] =	wrdreg s5  }
0xaa: {  	[dreg:$0x4] =	wrdreg $0xC0  }
0xab: {  	_ =	task [dreg:s7], $0x5FFFF  }
0xac: {  	[dreg:$0x1] =	wrdreg $0xFFFFFFFF  }
0xad: {  	[dreg:$0x0] =	wrdreg $0x60  }
0xae: {  	[dreg:$0x2] =	wrdreg s24  }
0xaf: {  	[dreg:$0x3] =	wrdreg s2  }
0xb0: {  	[dreg:$0x4] =	wrdreg $0x9  }
0xb1: {  	_ =	task.clear_ibuf [dreg:s7], $0x5FFFF;
	_ =	strace $0x90000046  }
0xb2: {  	s29 =	simm.s32 $0x9;
	_ =	strace $0x80000048  }
0xb3: {  	_ =	swait.ge [sflag:s29], $0x1  }
0xb4: {  	[sflag:s29] =	ssyncadd.s32 $0xFFFFFFFF  }
0xb5: {  	_ =	strace $0x90000048  }
0xb6: {  	_ =	sfence  }
0xb7: {  	s30 =	sld [smem:$0x0];
	_ =	sdelay $0x2  }
0xb8: {  	s31 =	sshll.u32 s1, $0xD;
	s1 =	sshrl.u32 s1, $0x2  }
0xb9: {  	s3 =	sand.u32 $0x4000, s31;
	s1 =	sadd.s32 s1, s30  }
0xba: {  	s0 =	sor.u32 s3, s0;
	s1 =	sshll.u32 s1, $0x11  }
0xbb: {  	s0 =	sor.u32 s1, s0  }
0xbc: {  	s0 =	sadd.s32 $0x8F2B, s0  }
0xbd: {  	[sflag:s0] =	ssyncadd.remote.s32 $0x1  }
0xbe: {  	_ =	sfence.sel $0xFFFF  }
0xbf: {  	[dreg:$0x0] =	wrdreg $0xFFFFFFFF;
	(pc) =	sbr.abs _section_cstart, $3  }
0xc0: {  	[dreg:$0x1] =	wrdreg $0xFFFFFFFF  }
0xc1: {  	_ =	task.clear_ibuf [dreg:s7], $0x2FFFF;
	_ =	strace $0x9FFFFFFF  }
0xc2: {  	(tm) =	ssettm $0x7FFFFFFF  }
0xc3: {  	_ =	shalt  }
tec
execute0_lowered:
.L_overlay_start_1:
0x0: {  	(tag) =	ssettag $0x1  }
0x1: {  	s1 =	srdreg.scid  }
0x2: {  	s0 =	stileid.u32;
	s6 =	sand.u32 $0x1, s1  }
0x3: {  	s5 =	rddreg [dreg:$0x0];
	s30 =	sshll.u32 s0, $0x9;
	s2 =	sshll.u32 s6, $0x8  }
0x4: {  	s8 =	rddreg [dreg:$0x1];
	s9 =	sor.u32 s2, s30  }
0x5: {  	s1 =	rddreg [dreg:$0x2];
	s2 =	simm.s32 $0x0;
	s3 =	sshrl.u32 s9, $0x3  }
0x6: {  	s10 =	ssub.s32 $0x2, s6;
	[smem:$0x7FF] =	sst s2;
	s3 =	sadd.s32 s3, s5  }
0x7: {  	_ =	strace $0x80000047;
	s4 =	sadd.s32 $0x3E00, s3;
	s3 =	simm.s32 $0x2  }
0x8: {  	[tilespmem:s2], [sflag:$0x2] =	stream.linear.gather [hbm4b:s4+s2], $0x100, $0x38;
	[tilespmem:$0x8100] =	vst v63  }
0x9: {  	s7 =	simm.s32 $0x1;
	s11 =	sshrl.u32 s10, $0x1;
	_ =	swait.ge [sflag:s3], $0x100  }
0xa: {  	s6 =	simm.s32 $0x100;
	s10 =	ssub.s32 s10, s11;
	[sflag:s3] =	ssyncset.done $0x0  }
0xb: {  	s5 =	sadd.s32 $0x1E00, s5;
	s31 =	smax.u32 s10, $0x1;
	[sflag:s3] =	ssyncadd.s32 $0xFFFFFF00  }
0xc: {  	[tilespmem:s6], [sflag:$0x1] =	stream.indirect.gather [hbm4b:s5+s6], $0x80, s2, s6, $0xb8;
	[tilespmem:$0x8100] =	vst v63  }
0xd: {  	p0 =	sne.s32 s31, $0x1;
	_ =	swait.ge [sflag:s7], $0x8000  }
.Ltmp0:
0xe: {  	s9 =	sshll.u32 s9, $0x4;
	[sflag:s7] =	ssyncset.done $0x0;
	(pc) =	sbr.rel @!p0 .LBB2_2-.Ltmp0, $4  }
0xf: {  	s8 =	sadd.s32 s8, s9;
	[sflag:s7] =	ssyncadd.s32 $0xFFFF8000  }
0x10: {  	[hbm4b:s8+s2] =	stream.linear.scatter [tilespmem:s6], [sflag:$0x2], $0x8000, $0x38;
	[tilespmem:$0x8100] =	vst v63  }
0x11: {  	_ =	swait.ge [sflag:s3], $0x8000  }
0x12: {  	s9 =	sadd.s32 $0xFFFFFFFF, s31;
	[sflag:s3] =	ssyncset.done $0x0  }
.LBB2_1:
0x13: {  	p0 =	sne.s32 s9, $0x1;
	s9 =	sadd.s32 $0xFFFFFFFF, s9;
	[sflag:s3] =	ssyncadd.s32 $0xFFFF8000  }
0x14: {  	[tilespmem:s2], [sflag:$0x2] =	stream.linear.gather [hbm4b:s4+s2], $0x100, $0x38;
	[tilespmem:$0x8100] =	vst v63  }
0x15: {  	_ =	swait.ge [sflag:s3], $0x100  }
0x16: {  	[sflag:s3] =	ssyncset.done $0x0  }
0x17: {  	[sflag:s3] =	ssyncadd.s32 $0xFFFFFF00  }
0x18: {  	[tilespmem:s6], [sflag:$0x1] =	stream.indirect.gather [hbm4b:s5+s6], $0x80, s2, s6, $0xb8;
	[tilespmem:$0x8100] =	vst v63  }
0x19: {  	_ =	swait.ge [sflag:s7], $0x8000  }
.Ltmp1:
0x1a: {  	[sflag:s7] =	ssyncset.done $0x0;
	(pc) =	sbr.rel @p0 .LBB2_1-.Ltmp1, $4  }
0x1b: {  	[sflag:s7] =	ssyncadd.s32 $0xFFFF8000  }
0x1c: {  	[hbm4b:s8+s2] =	stream.linear.scatter [tilespmem:s6], [sflag:$0x2], $0x8000, $0x38;
	[tilespmem:$0x8100] =	vst v63  }
0x1d: {  	_ =	swait.ge [sflag:s3], $0x8000  }
0x1e: {  	[sflag:s3] =	ssyncset.done $0x0  }
.LBB2_2:
0x1f: {  	[sflag:s3] =	ssyncadd.s32 $0xFFFF8000  }
0x20: {  	_ =	sfence.sel $0x180000  }
0x21: {  	[bflag:$0x0] =	sbarrier.arrive $0xFFFF  }
0x22: {  	p0 =	sne.s32 s0, $0x0;
	_ =	strace $0x90000047  }
0x23: {  	s0 =	sadd.s32 @!p0 $0x100000, s1;
	[bflag:$0x2] =	sbarrier.arrive $0xFFFF  }
0x24: {  	[sflag:s0] =	ssyncadd.tile.s32 @!p0 $0x1;
	_ =	shalt  }
.Lfunc_end2:
_tile_overlayer_lowered:
.L_overlay_start_2:
0x25: {  	(tag) =	ssettag $0x2  }
0x26: {  	s0 =	rddreg [dreg:$0x0];
	s2 =	stileid.u32  }
0x27: {  	s1 =	rddreg [dreg:$0x1];
	p0 =	sne.s32 s2, $0x0  }
0x28: {  	s3 =	rddreg [dreg:$0x2];
	[bflag:$0x3] =	sbarrier.arrive $0xFFFF;
	s2 =	simm.s32 @!p0 $0x1C02  }
0x29: {  	[timem:s3], [sflag:s2] =	dma.local @!p0 [hbm:s0], s1  }
0x2a: {  	s0 =	simm.s32 @!p0 $0x2  }
0x2b: {  	_ =	swait.ge @!p0 [sflag:s0], s1  }
0x2c: {  	s1 =	ssub.s32 @!p0 $0x0, s1;
	[sflag:s0] =	ssyncset.done @!p0 $0x0  }
0x2d: {  	[sflag:s0] =	ssyncadd.s32 @!p0 s1  }
0x2e: {  	[bflag:$0x3] =	sbarrier.arrive $0xFFFF  }
0x2f: {  	_ =	shalt  }

</sc_bundles>
